<compile_context>
chip_gen: v7x
topology: tpu7x:2x2x1
jax: 0.10.2.dev20260603
libtpu: 0.0.44.dev20260713+nightly
codegen_flags: <defaults>
</compile_context>

<pallas_src>
import functools

import jax
import jax.numpy as jnp
from jax import lax
from jax.experimental import pallas as pl
from jax.experimental.pallas import tpu as pltpu
from jax.experimental.pallas import tpu_sc as plsc

VOCAB = 1000000
NUM_SPEAKERS = 100000
EMBED_DIM = 64
CONTEXT = 200
HIDDEN = 128
IN1 = EMBED_DIM + CONTEXT * EMBED_DIM

_NC = 2
_NS = 16
_CHUNK = 8
_NCHUNKS = CONTEXT // _CHUNK


def _sc_gather_body(speaker_hbm, widx_hbm, wtab_hbm, stab_hbm,
                    words_hbm, spk_hbm, idx_v, rows_v, sidx_v, srow_v, sem):
    wid = lax.axis_index("s") * _NC + lax.axis_index("c")

    @pl.when(wid < _NCHUNKS)
    def _words():
        base = wid * _CHUNK
        pltpu.sync_copy(widx_hbm.at[pl.ds(base, _CHUNK)], idx_v)
        pltpu.async_copy(wtab_hbm.at[idx_v], rows_v, sem).wait()
        pltpu.sync_copy(rows_v, words_hbm.at[pl.ds(base, _CHUNK)])

    @pl.when(wid == _NCHUNKS)
    def _speaker():
        pltpu.sync_copy(speaker_hbm, sidx_v)
        pltpu.async_copy(stab_hbm.at[sidx_v], srow_v, sem).wait()
        pltpu.sync_copy(srow_v, spk_hbm)


@functools.partial(
    pl.kernel,
    out_type=(jax.ShapeDtypeStruct((CONTEXT, EMBED_DIM), jnp.float32),
              jax.ShapeDtypeStruct((1, EMBED_DIM), jnp.float32)),
    mesh=plsc.VectorSubcoreMesh(core_axis_name="c", subcore_axis_name="s"),
    compiler_params=pltpu.CompilerParams(use_tc_tiling_on_sc=False),
    scratch_types=[
        pltpu.VMEM((_CHUNK,), jnp.int32),
        pltpu.VMEM((_CHUNK, EMBED_DIM), jnp.float32),
        pltpu.VMEM((1,), jnp.int32),
        pltpu.VMEM((1, EMBED_DIM), jnp.float32),
        pltpu.SemaphoreType.DMA,
    ],
)
def _sc_gather(*refs):
    _sc_gather_body(*refs)


def _mlp_body(spk_ref, words_ref, w1_ref, b1_ref, w2_ref, b2_ref, out_ref):
    h = jnp.dot(spk_ref[...], w1_ref[0], preferred_element_type=jnp.float32)
    ww = w1_ref[pl.ds(1, CONTEXT)]
    hw = jnp.sum(words_ref[...][:, :, None] * ww, axis=(0, 1))
    h = jnp.maximum(h + hw[None, :] + b1_ref[...], 0.0)
    o = jnp.dot(h, w2_ref[...], preferred_element_type=jnp.float32)
    out_ref[...] = jax.nn.sigmoid(o + b2_ref[...])


def _mlp(spk, words, W1, b1, W2, b2):
    return pl.pallas_call(
        _mlp_body,
        out_shape=jax.ShapeDtypeStruct((1, 1), jnp.float32),
    )(spk, words, W1.reshape(CONTEXT + 1, EMBED_DIM, HIDDEN),
      b1.reshape(1, HIDDEN), W2, b2.reshape(1, 1))


def kernel(speaker_code, word_indices, word_table, speaker_table, W1, b1, W2, b2):
    words, spk = _sc_gather(speaker_code.astype(jnp.int32),
                            word_indices.astype(jnp.int32),
                            word_table, speaker_table)
    return _mlp(spk, words, W1, b1, W2, b2)

# --- scband reference (transcript-rebuilt; emitter-appended) ---
"""Pipeline reference for scband-ngram-language-modeler-18021682774709 (READ-ONLY COPY).

The authoritative reference and input builder live on the scoring server;
editing this copy changes nothing except your own understanding.
"""

import jax, jax.numpy as jnp
import numpy as np

VOCAB = 1000000
NUM_SPEAKERS = 100000
EMBED_DIM = 64
CONTEXT = 200
HIDDEN = 128

def setup_inputs(seed: int = 0) -> dict:
    key = jax.random.key(seed)
    ks = jax.random.split(key, 8)
    speaker_code = jax.random.randint(ks[0], (1,), 0, NUM_SPEAKERS, dtype=jnp.int64 if jax.config.jax_enable_x64 else jnp.int32)
    word_indices = jax.random.randint(ks[1], (CONTEXT,), 0, VOCAB, dtype=jnp.int64 if jax.config.jax_enable_x64 else jnp.int32)
    word_table = jax.random.normal(ks[2], (VOCAB, EMBED_DIM), dtype=jnp.float32)
    speaker_table = jax.random.normal(ks[3], (NUM_SPEAKERS, EMBED_DIM), dtype=jnp.float32)
    in1 = EMBED_DIM + CONTEXT * EMBED_DIM
    lim1 = 1.0 / np.sqrt(in1)
    W1 = jax.random.uniform(ks[4], (in1, HIDDEN), minval=-lim1, maxval=lim1, dtype=jnp.float32)
    b1 = jax.random.uniform(ks[5], (HIDDEN,), minval=-lim1, maxval=lim1, dtype=jnp.float32)
    lim2 = 1.0 / np.sqrt(HIDDEN)
    W2 = jax.random.uniform(ks[6], (HIDDEN, 1), minval=-lim2, maxval=lim2, dtype=jnp.float32)
    b2 = jax.random.uniform(ks[7], (1,), minval=-lim2, maxval=lim2, dtype=jnp.float32)
    return {"speaker_code": speaker_code, "word_indices": word_indices,
            "word_table": word_table, "speaker_table": speaker_table,
            "W1": W1, "b1": b1, "W2": W2, "b2": b2}

def reference(speaker_code, word_indices, word_table, speaker_table, W1, b1, W2, b2):
    word_embeds = jnp.take(word_table, word_indices, axis=0).reshape(1, -1)
    speaker_embed = jnp.take(speaker_table, speaker_code, axis=0).reshape(1, -1)
    embeds_full = jnp.concatenate((speaker_embed, word_embeds), axis=1)
    out = jax.nn.relu(embeds_full @ W1 + b1)
    out = out @ W2 + b2
    log_probs = jax.nn.sigmoid(out)
    return log_probs

if __name__ == "__main__":
    import jax
    _d = setup_inputs()
    print(jax.jit(kernel)(*tuple(_d.values())))

</pallas_src>

<mosaic_0001>
#map = affine_map<(d0, d1) -> (0)>
#map1 = affine_map<(d0, d1) -> (0, 0)>
module attributes {stable_mosaic.version = 14 : i64} {
  func.func @_sc_gather(%arg0: i32, %arg1: i32, %arg2: memref<1xi32, #tpu.memory_space<hbm>>, %arg3: memref<200xi32, #tpu.memory_space<hbm>>, %arg4: memref<1000000x64xf32, #tpu.memory_space<hbm>>, %arg5: memref<100000x64xf32, #tpu.memory_space<hbm>>, %arg6: memref<200x64xf32, #tpu.memory_space<hbm>>, %arg7: memref<1x64xf32, #tpu.memory_space<hbm>>, %arg8: memref<8xi32, #tpu.memory_space<vmem>>, %arg9: memref<8x64xf32, #tpu.memory_space<vmem>>, %arg10: memref<1xi32, #tpu.memory_space<vmem>>, %arg11: memref<1x64xf32, #tpu.memory_space<vmem>>, %arg12: memref<!tpu.dma_semaphore, #tpu.memory_space<semaphore_mem>>) attributes {dimension_semantics = [#tpu.dimension_semantics<core_parallel>, #tpu.dimension_semantics<subcore_parallel>], iteration_bounds = array<i64: 2, 16>, scalar_prefetch = 0 : i64, scratch_operands = 5 : i64, tpu.core_type = #tpu.core_type<sc_vector_subcore>, window_params = [{transform_indices = #map}, {transform_indices = #map}, {transform_indices = #map1}, {transform_indices = #map1}, {transform_indices = #map1}, {transform_indices = #map1}]} {
    %mul3A = arith.constant 2 : i32
    %mul3A_0 = arith.muli %arg1, %mul3A : i32
    %add3A = arith.addi %mul3A_0, %arg0 : i32
    %lt3A = arith.constant 25 : i32
    %lt3A_1 = arith.cmpi slt, %add3A, %lt3A : i32
    %convert_element_type3A = arith.extui %lt3A_1 : i1 to i32
    %cond3A = arith.constant 0 : i32
    %cond3A_2 = arith.cmpi ne, %convert_element_type3A, %cond3A : i32
    scf.if %cond3A_2 {
      %mul3A_7 = arith.constant 8 : i32
      %mul3A_8 = arith.muli %add3A, %mul3A_7 : i32
      "tpu.region"() ({
        %run_scoped3A = tpu.sem_alloc : memref<!tpu.dma_semaphore, #tpu.memory_space<semaphore_mem>>
        %dma_start3A_13 = tpu.memref_slice %arg3[%mul3A_8] : memref<200xi32, #tpu.memory_space<hbm>> -> memref<8xi32, #tpu.memory_space<hbm>>
        %dma_start3A_14 = tpu.memref_slice %arg3[%mul3A_8] : memref<200xi32, #tpu.memory_space<hbm>> -> memref<8xi32, #tpu.memory_space<hbm>>
        tpu.enqueue_dma source(%dma_start3A_14 : memref<8xi32, #tpu.memory_space<hbm>>) target(%arg8 : memref<8xi32, #tpu.memory_space<vmem>>) target_semaphore(%run_scoped3A : memref<!tpu.dma_semaphore, #tpu.memory_space<semaphore_mem>>)
        %dma_wait3A_15 = tpu.memref_slice %arg3[%mul3A_8] : memref<200xi32, #tpu.memory_space<hbm>> -> memref<8xi32, #tpu.memory_space<hbm>>
        %dma_wait3A_16 = tpu.memref_slice %arg3[%mul3A_8] : memref<200xi32, #tpu.memory_space<hbm>> -> memref<8xi32, #tpu.memory_space<hbm>>
        tpu.wait_dma2 semaphore(%run_scoped3A : memref<!tpu.dma_semaphore, #tpu.memory_space<semaphore_mem>>) src(%dma_wait3A_16 : memref<8xi32, #tpu.memory_space<hbm>>) dst(%arg8 : memref<8xi32, #tpu.memory_space<vmem>>)
        tpu.yield
      }) : () -> ()
      %dma_start3A = arith.constant 0 : i32
      %dma_start3A_9 = arith.constant 0 : i32
      %dma_start3A_10 = tpu.memref_slice %arg4[%dma_start3A, %dma_start3A_9] : memref<1000000x64xf32, #tpu.memory_space<hbm>> -> memref<1000000x64xf32, #tpu.memory_space<hbm>>
      tpu.enqueue_indirect_dma source(%dma_start3A_10 : memref<1000000x64xf32, #tpu.memory_space<hbm>>) target(%arg9 : memref<8x64xf32, #tpu.memory_space<vmem>>) offsets(%arg8 : memref<8xi32, #tpu.memory_space<vmem>>) semaphore(%arg12 : memref<!tpu.dma_semaphore, #tpu.memory_space<semaphore_mem>>)
      %dma_wait3A = arith.constant 0 : i32
      %dma_wait3A_11 = arith.constant 0 : i32
      %dma_wait3A_12 = tpu.memref_slice %arg4[%dma_wait3A, %dma_wait3A_11] : memref<1000000x64xf32, #tpu.memory_space<hbm>> -> memref<1000000x64xf32, #tpu.memory_space<hbm>>
      tpu.wait_indirect_dma semaphore(%arg12 : memref<!tpu.dma_semaphore, #tpu.memory_space<semaphore_mem>>) src(%dma_wait3A_12 : memref<1000000x64xf32, #tpu.memory_space<hbm>>) dst(%arg9 : memref<8x64xf32, #tpu.memory_space<vmem>>)
      "tpu.region"() ({
        %run_scoped3A = tpu.sem_alloc : memref<!tpu.dma_semaphore, #tpu.memory_space<semaphore_mem>>
        %dma_start3A_13 = arith.constant 0 : i32
        %dma_start3A_14 = tpu.memref_slice %arg6[%mul3A_8, %dma_start3A_13] : memref<200x64xf32, #tpu.memory_space<hbm>> -> memref<8x64xf32, #tpu.memory_space<hbm>>
        %dma_start3A_15 = arith.constant 0 : i32
        %dma_start3A_16 = tpu.memref_slice %arg6[%mul3A_8, %dma_start3A_15] : memref<200x64xf32, #tpu.memory_space<hbm>> -> memref<8x64xf32, #tpu.memory_space<hbm>>
        tpu.enqueue_dma source(%arg9 : memref<8x64xf32, #tpu.memory_space<vmem>>) target(%dma_start3A_16 : memref<8x64xf32, #tpu.memory_space<hbm>>) target_semaphore(%run_scoped3A : memref<!tpu.dma_semaphore, #tpu.memory_space<semaphore_mem>>)
        %dma_wait3A_17 = arith.constant 0 : i32
        %dma_wait3A_18 = tpu.memref_slice %arg6[%mul3A_8, %dma_wait3A_17] : memref<200x64xf32, #tpu.memory_space<hbm>> -> memref<8x64xf32, #tpu.memory_space<hbm>>
        %dma_wait3A_19 = arith.constant 0 : i32
        %dma_wait3A_20 = tpu.memref_slice %arg6[%mul3A_8, %dma_wait3A_19] : memref<200x64xf32, #tpu.memory_space<hbm>> -> memref<8x64xf32, #tpu.memory_space<hbm>>
        tpu.wait_dma2 semaphore(%run_scoped3A : memref<!tpu.dma_semaphore, #tpu.memory_space<semaphore_mem>>) src(%arg9 : memref<8x64xf32, #tpu.memory_space<vmem>>) dst(%dma_wait3A_20 : memref<8x64xf32, #tpu.memory_space<hbm>>)
        tpu.yield
      }) : () -> ()
    } else {
    }
    %eq3A = arith.constant 25 : i32
    %eq3A_3 = arith.cmpi eq, %add3A, %eq3A : i32
    %convert_element_type3A_4 = arith.extui %eq3A_3 : i1 to i32
    %cond3A_5 = arith.constant 0 : i32
    %cond3A_6 = arith.cmpi ne, %convert_element_type3A_4, %cond3A_5 : i32
    scf.if %cond3A_6 {
      "tpu.region"() ({
        %run_scoped3A = tpu.sem_alloc : memref<!tpu.dma_semaphore, #tpu.memory_space<semaphore_mem>>
        tpu.enqueue_dma source(%arg2 : memref<1xi32, #tpu.memory_space<hbm>>) target(%arg10 : memref<1xi32, #tpu.memory_space<vmem>>) target_semaphore(%run_scoped3A : memref<!tpu.dma_semaphore, #tpu.memory_space<semaphore_mem>>)
        tpu.wait_dma2 semaphore(%run_scoped3A : memref<!tpu.dma_semaphore, #tpu.memory_space<semaphore_mem>>) src(%arg2 : memref<1xi32, #tpu.memory_space<hbm>>) dst(%arg10 : memref<1xi32, #tpu.memory_space<vmem>>)
        tpu.yield
      }) : () -> ()
      %dma_start3A = arith.constant 0 : i32
      %dma_start3A_7 = arith.constant 0 : i32
      %dma_start3A_8 = tpu.memref_slice %arg5[%dma_start3A, %dma_start3A_7] : memref<100000x64xf32, #tpu.memory_space<hbm>> -> memref<100000x64xf32, #tpu.memory_space<hbm>>
      tpu.enqueue_indirect_dma source(%dma_start3A_8 : memref<100000x64xf32, #tpu.memory_space<hbm>>) target(%arg11 : memref<1x64xf32, #tpu.memory_space<vmem>>) offsets(%arg10 : memref<1xi32, #tpu.memory_space<vmem>>) semaphore(%arg12 : memref<!tpu.dma_semaphore, #tpu.memory_space<semaphore_mem>>)
      %dma_wait3A = arith.constant 0 : i32
      %dma_wait3A_9 = arith.constant 0 : i32
      %dma_wait3A_10 = tpu.memref_slice %arg5[%dma_wait3A, %dma_wait3A_9] : memref<100000x64xf32, #tpu.memory_space<hbm>> -> memref<100000x64xf32, #tpu.memory_space<hbm>>
      tpu.wait_indirect_dma semaphore(%arg12 : memref<!tpu.dma_semaphore, #tpu.memory_space<semaphore_mem>>) src(%dma_wait3A_10 : memref<100000x64xf32, #tpu.memory_space<hbm>>) dst(%arg11 : memref<1x64xf32, #tpu.memory_space<vmem>>)
      "tpu.region"() ({
        %run_scoped3A = tpu.sem_alloc : memref<!tpu.dma_semaphore, #tpu.memory_space<semaphore_mem>>
        tpu.enqueue_dma source(%arg11 : memref<1x64xf32, #tpu.memory_space<vmem>>) target(%arg7 : memref<1x64xf32, #tpu.memory_space<hbm>>) target_semaphore(%run_scoped3A : memref<!tpu.dma_semaphore, #tpu.memory_space<semaphore_mem>>)
        tpu.wait_dma2 semaphore(%run_scoped3A : memref<!tpu.dma_semaphore, #tpu.memory_space<semaphore_mem>>) src(%arg11 : memref<1x64xf32, #tpu.memory_space<vmem>>) dst(%arg7 : memref<1x64xf32, #tpu.memory_space<hbm>>)
        tpu.yield
      }) : () -> ()
    } else {
    }
    return
  }
}

module attributes {stable_mosaic.version = 14 : i64} {
  func.func @_mlp_body(%arg0: memref<1x64xf32, #tpu.memory_space<vmem>>, %arg1: memref<200x64xf32, #tpu.memory_space<vmem>>, %arg2: memref<201x64x128xf32, #tpu.memory_space<vmem>>, %arg3: memref<1x128xf32, #tpu.memory_space<vmem>>, %arg4: memref<128x1xf32, #tpu.memory_space<vmem>>, %arg5: memref<1x1xf32, #tpu.memory_space<vmem>>, %arg6: memref<1x1xf32, #tpu.memory_space<vmem>>) attributes {dimension_semantics = [], scalar_prefetch = 0 : i64, scratch_operands = 0 : i64, tpu.core_type = #tpu.core_type<tc>} {
    %get3A = arith.constant 0 : index
    %get3A_0 = arith.constant 0 : index
    %get3A_1 = vector.load %arg0[%get3A, %get3A_0] : memref<1x64xf32, #tpu.memory_space<vmem>>, vector<1x64xf32>
    %get3A_2 = arith.constant 0 : index
    %get3A_3 = arith.constant 0 : index
    %get3A_4 = arith.constant 0 : index
    %get3A_5 = vector.load %arg2[%get3A_2, %get3A_3, %get3A_4] : memref<201x64x128xf32, #tpu.memory_space<vmem>>, vector<1x64x128xf32>
    %get3A_6 = vector.shape_cast %get3A_5 : vector<1x64x128xf32> to vector<64x128xf32>
    %dot_general3A = arith.constant dense<0.000000e+00> : vector<1x128xf32>
    %dot_general3A_7 = tpu.matmul %get3A_1, %get3A_6, %dot_general3A {dimension_numbers = #tpu.dot_dimension_numbers<[1], [0], [0], [1], [0, 0, 1, 1], [], []>, transpose_lhs_hint = false} : vector<1x64xf32>, vector<64x128xf32>, vector<1x128xf32> -> vector<1x128xf32>
    %get3A_8 = arith.constant 1 : index
    %get3A_9 = arith.constant 0 : index
    %get3A_10 = arith.constant 0 : index
    %get3A_11 = vector.load %arg2[%get3A_8, %get3A_9, %get3A_10] : memref<201x64x128xf32, #tpu.memory_space<vmem>>, vector<200x64x128xf32>
    %get3A_12 = arith.constant 0 : index
    %get3A_13 = arith.constant 0 : index
    %get3A_14 = vector.load %arg1[%get3A_12, %get3A_13] : memref<200x64xf32, #tpu.memory_space<vmem>>, vector<200x64xf32>
    %broadcast_in_dim3A = vector.shape_cast %get3A_14 : vector<200x64xf32> to vector<200x64x1xf32>
    %mul3A = vector.broadcast %broadcast_in_dim3A : vector<200x64x1xf32> to vector<200x64x128xf32>
    %mul3A_15 = arith.mulf %mul3A, %get3A_11 : vector<200x64x128xf32>
    %reduce_sum3A = arith.constant dense<0.000000e+00> : vector<128xf32>
    %reduce_sum3A_16 = vector.multi_reduction <add>, %mul3A_15, %reduce_sum3A [0, 1] : vector<200x64x128xf32> to vector<128xf32>
    %broadcast_in_dim3A_17 = vector.shape_cast %reduce_sum3A_16 : vector<128xf32> to vector<1x128xf32>
    %add3A = arith.addf %dot_general3A_7, %broadcast_in_dim3A_17 : vector<1x128xf32>
    %get3A_18 = arith.constant 0 : index
    %get3A_19 = arith.constant 0 : index
    %get3A_20 = vector.load %arg3[%get3A_18, %get3A_19] : memref<1x128xf32, #tpu.memory_space<vmem>>, vector<1x128xf32>
    %add3A_21 = arith.addf %add3A, %get3A_20 : vector<1x128xf32>
    %max3A = arith.constant 0.000000e+00 : f32
    %max3A_22 = vector.broadcast %max3A : f32 to vector<1x128xf32>
    %max3A_23 = arith.maximumf %add3A_21, %max3A_22 : vector<1x128xf32>
    %get3A_24 = arith.constant 0 : index
    %get3A_25 = arith.constant 0 : index
    %get3A_26 = vector.load %arg4[%get3A_24, %get3A_25] : memref<128x1xf32, #tpu.memory_space<vmem>>, vector<128x1xf32>
    %dot_general3A_27 = arith.constant dense<0.000000e+00> : vector<1x1xf32>
    %dot_general3A_28 = tpu.matmul %max3A_23, %get3A_26, %dot_general3A_27 {dimension_numbers = #tpu.dot_dimension_numbers<[1], [0], [0], [1], [0, 0, 1, 1], [], []>, transpose_lhs_hint = false} : vector<1x128xf32>, vector<128x1xf32>, vector<1x1xf32> -> vector<1x1xf32>
    %get3A_29 = arith.constant 0 : index
    %get3A_30 = arith.constant 0 : index
    %get3A_31 = vector.load %arg5[%get3A_29, %get3A_30] : memref<1x1xf32, #tpu.memory_space<vmem>>, vector<1x1xf32>
    %add3A_32 = arith.addf %dot_general3A_28, %get3A_31 : vector<1x1xf32>
    %logistic3A = arith.negf %add3A_32 : vector<1x1xf32>
    %logistic3A_33 = math.exp %logistic3A : vector<1x1xf32>
    %logistic3A_34 = arith.constant 1.000000e+00 : f32
    %logistic3A_35 = vector.broadcast %logistic3A_34 : f32 to vector<1x1xf32>
    %logistic3A_36 = arith.addf %logistic3A_35, %logistic3A_33 : vector<1x1xf32>
    %logistic3A_37 = arith.divf %logistic3A_35, %logistic3A_36 : vector<1x1xf32>
    %swap3A = arith.constant 0 : index
    %swap3A_38 = arith.constant 0 : index
    %swap3A_39 = vector.load %arg6[%swap3A, %swap3A_38] : memref<1x1xf32, #tpu.memory_space<vmem>>, vector<1x1xf32>
    tpu.vector_store %arg6[%swap3A, %swap3A_38], %logistic3A_37 {strides = array<i32>} : memref<1x1xf32, #tpu.memory_space<vmem>>, vector<1x1xf32>,
    return
  }
}

</mosaic_0001>

<sc_bundles>
// kernel: kernel.4.cloned.1.call-start
scs
__scs_entry_jumppad:
0x0: {  	(pc) =	sbr.rel $0x88, $3  }
0x1: {  	(tag) =	ssettag $0x0;
	lr =	simm.s32 $0x1  }
0x2: {  	[smem:$0x3F99] =	sst lr;
	_ =	strace $0xD0000000  }
0x3: {  	_ = 	snop  }
0x4: {  	_ = 	snop  }
0x5: {  	_ = 	snop  }
0x6: {  	_ = 	snop  }
0x7: {  	_ = 	snop  }
__scs_overlays_trampoline_lowered:
0x8: {  	[smem:$0x3FA8] =	sst s0  }
0x9: {  	[smem:$0x3FA9] =	sst s1  }
0xa: {  	[smem:$0x3FAA] =	sst s2  }
0xb: {  	[smem:$0x3FAB] =	sst s3  }
0xc: {  	[smem:$0x3FAC] =	sst s4  }
0xd: {  	[smem:$0x3FAD] =	sst s5  }
0xe: {  	[smem:$0x3FAE] =	sst s6  }
0xf: {  	[smem:$0x3FAF] =	sst s7  }
0x10: {  	[smem:$0x3FB0] =	sst s8  }
0x11: {  	[smem:$0x3FB1] =	sst s9;
	s0 =	simm.s32 @!p0 $0x0  }
0x12: {  	s1 =	sld [smem:$0x3F97];
	s0 =	simm.s32 @p0 $0x1  }
0x13: {  	[smem:$0x3FB2] =	sst s0;
	s0 =	simm.s32 @!p1 $0x0  }
0x14: {  	s2 =	sld [smem:$0x3F96];
	s0 =	simm.s32 @p1 $0x1  }
0x15: {  	[smem:$0x3FB3] =	sst s0;
	s0 =	simm.s32 @!p2 $0x0  }
0x16: {  	s3 =	sld [smem:$0x3FDB];
	s0 =	simm.s32 @p2 $0x1  }
0x17: {  	s4 =	simm.s32 $0x1BF5;
	[smem:$0x3FB5] =	sst s0  }
0x18: {  	s0 =	sld [smem:$0x3F98];
	_ =	swait.ge [sflag:s4], $0x0  }
0x19: {  	s7 =	sld [smem:$0x3F99]  }
0x1a: {  	s8 =	sadd.s32 $0xFFFFE003, lr  }
0x1b: {  	s9 =	sadd.s32 $0xFFFFFEF7, lr;
	s5 =	simm.s32 $0xFFFFFFFF;
	p2 =	slt.u32 s8, $0xFFFFF086  }
0x1c: {  	p1 =	slt.u32 s9, $0xF7A;
	s5 =	simm.s32 @!p2 $0x0  }
0x1d: {  	s5 =	simm.s32 @p1 $0x1;
	p0 =	seq.s32 s7, s2  }
0x1e: {  	s7 =	smul.u32 @!p0 $0xF7A, s2;
	p2 =	seq.s32 @!p0 s5, $0x0  }
0x1f: {  	s9 =	smul.u32 $0xF7A, s1;
	s8 =	simm.s32 @!p0 $0x1BF5;
	p2 =	por !p2, p0  }
0x20: {  	[sflag:s8] =	ssyncset.s32 @!p0 $0xFFFFF086;
	s6 =	sadd.s32 @!p0 s3, s7;
	s7 =	simm.s32 @!p0 $0x108  }
0x21: {  	s3 =	sadd.s32 s3, s9;
	s6 =	sadd.s32 @!p0 $0x88, s6;
	s7 =	simm.s32 @p2 $0x1082  }
0x22: {  	[simem:s7], [sflag:s8] =	dma.local @!p0 [hbm:s6], $0xF7A  }
0x23: {  	s9 =	sor.u32 $0xD0000000, s2;
	s6 =	simm.s32 $0x108;
	_ =	swait.ge @!p0 [sflag:s8], $0x0  }
0x24: {  	s3 =	sadd.s32 $0x88, s3;
	s6 =	simm.s32 @!p1 $0x1082;
	[sflag:s4] =	ssyncset.s32 $0xFFFFF086  }
0x25: {  	[simem:s6], [sflag:s4] =	dma.local [hbm:s3], $0xF7A  }
0x26: {  	[smem:$0x3F99] =	sst s1;
	(tag) =	ssettag s2;
	_ =	strace s9  }
0x27: {  	s1 =	sld [smem:$0x3FA9]  }
0x28: {  	s2 =	sld [smem:$0x3FAA]  }
0x29: {  	s4 =	sld [smem:$0x3FAC]  }
0x2a: {  	p0 =	seq.s32 s5, $0x0;
	s5 =	sld [smem:$0x3FAD]  }
0x2b: {  	s6 =	sld [smem:$0x3FAE]  }
0x2c: {  	s7 =	sld [smem:$0x3FAF]  }
0x2d: {  	s3 =	simm.s32 $0x108;
	s8 =	sld [smem:$0x3FB0]  }
0x2e: {  	s3 =	simm.s32 @!p0 $0x1082;
	s9 =	sld [smem:$0x3FB1]  }
0x2f: {  	lr =	sadd.s32 s0, s3;
	s0 =	sld [smem:$0x3FA8]  }
0x30: {  	s3 =	sld [smem:$0x3FAB]  }
0x31: {  	[smem:$0x3FB4] =	sst s10  }
0x32: {  	s10 =	sld [smem:$0x3FB2];
	_ =	sdelay $0x3  }
0x33: {  	p0 =	seq.s32 s10, $0x1;
	s10 =	sld [smem:$0x3FB4];
	_ =	sdelay $0x3  }
0x34: {  	[smem:$0x3FB4] =	sst s10  }
0x35: {  	s10 =	sld [smem:$0x3FB3];
	_ =	sdelay $0x3  }
0x36: {  	p1 =	seq.s32 s10, $0x1;
	s10 =	sld [smem:$0x3FB4];
	_ =	sdelay $0x3  }
0x37: {  	[smem:$0x3FB4] =	sst s10  }
0x38: {  	s10 =	sld [smem:$0x3FB5]  }
0x39: {  	_ = 	snop;
	(pc) =	sbr.ind lr, $3  }
0x3a: {  	_ = 	snop  }
0x3b: {  	_ = 	snop  }
0x3c: {  	p2 =	seq.s32 s10, $0x1;
	s10 =	sld [smem:$0x3FB4]  }
0x3d: {  	_ =	shalt  }
0x3e: {  	_ =	shalt  }
0x3f: {  	_ =	shalt  }
0x40: {  	_ =	shalt  }
0x41: {  	_ =	shalt  }
0x42: {  	_ =	shalt  }
0x43: {  	_ =	shalt  }
0x44: {  	_ =	shalt  }
0x45: {  	_ =	shalt  }
0x46: {  	_ =	shalt  }
0x47: {  	_ =	shalt  }
0x48: {  	_ =	shalt  }
0x49: {  	_ =	shalt  }
0x4a: {  	_ =	shalt  }
0x4b: {  	_ =	shalt  }
0x4c: {  	_ =	shalt  }
0x4d: {  	_ =	shalt  }
0x4e: {  	_ =	shalt  }
0x4f: {  	_ =	shalt  }
0x50: {  	_ =	shalt  }
0x51: {  	_ =	shalt  }
0x52: {  	_ =	shalt  }
0x53: {  	_ =	shalt  }
0x54: {  	_ =	shalt  }
0x55: {  	_ =	shalt  }
0x56: {  	_ =	shalt  }
0x57: {  	_ =	shalt  }
0x58: {  	_ =	shalt  }
0x59: {  	_ =	shalt  }
0x5a: {  	_ =	shalt  }
0x5b: {  	_ =	shalt  }
0x5c: {  	_ =	shalt  }
0x5d: {  	_ =	shalt  }
0x5e: {  	_ =	shalt  }
0x5f: {  	_ =	shalt  }
0x60: {  	_ =	shalt  }
0x61: {  	_ =	shalt  }
0x62: {  	_ =	shalt  }
0x63: {  	_ =	shalt  }
0x64: {  	_ =	shalt  }
0x65: {  	_ =	shalt  }
0x66: {  	_ =	shalt  }
0x67: {  	_ =	shalt  }
0x68: {  	_ =	shalt  }
0x69: {  	_ =	shalt  }
0x6a: {  	_ =	shalt  }
0x6b: {  	_ =	shalt  }
0x6c: {  	_ =	shalt  }
0x6d: {  	_ =	shalt  }
0x6e: {  	_ =	shalt  }
0x6f: {  	_ =	shalt  }
0x70: {  	_ =	shalt  }
0x71: {  	_ =	shalt  }
0x72: {  	_ =	shalt  }
0x73: {  	_ =	shalt  }
0x74: {  	_ =	shalt  }
0x75: {  	_ =	shalt  }
0x76: {  	_ =	shalt  }
0x77: {  	_ =	shalt  }
0x78: {  	_ =	shalt  }
0x79: {  	_ =	shalt  }
0x7a: {  	_ =	shalt  }
0x7b: {  	_ =	shalt  }
0x7c: {  	_ =	shalt  }
0x7d: {  	_ =	shalt  }
0x7e: {  	_ =	shalt  }
0x7f: {  	_ =	shalt  }
0x80: {  	_ =	shalt  }
0x81: {  	_ =	shalt  }
0x82: {  	_ =	shalt  }
0x83: {  	_ =	shalt  }
0x84: {  	_ =	shalt  }
0x85: {  	_ =	shalt  }
0x86: {  	_ =	shalt  }
0x87: {  	_ =	shalt  }
.Lfunc_end0:
.L_simem_size_0:
called_computation_lowered:
.L_overlay_start_0:
0x88: {  	s2 =	sld [smem:$0x3FD9]  }
0x89: {  	s3 =	sld [smem:$0x3FFE];
	_ =	sdelay $0x1  }
0x8a: {  	s1 =	srdreg.scid  }
0x8b: {  	s0 =	sand.u32 $0x1, s1  }
0x8c: {  	s17 =	sshll.u32 s0, $0xA;
	s2 =	sadd.s32 s3, s2  }
0x8d: {  	s2 =	sadd.s32 s2, s17  }
0x8e: {  	[smem:$0x3FC0] =	sst s2  }
0x8f: {  	_ = 	snop  }
0x90: {  	s2 =	sld [smem:$0x3FC9]  }
0x91: {  	s18 =	sld [smem:$0x3FC8]  }
0x92: {  	s4 =	sld [smem:$0x3FD0];
	(tm) =	ssettm $0x1  }
0x93: {  	s5 =	sld [smem:$0x3FFB];
	_ =	sdelay $0x3  }
0x94: {  	_ =	strace s5  }
0x95: {  	s5 =	sld [smem:$0x3FFC];
	_ =	sdelay $0x3  }
0x96: {  	_ =	strace s5  }
0x97: {  	s5 =	sld [smem:$0x3FFD];
	_ =	sdelay $0x3  }
0x98: {  	_ =	strace s5  }
0x99: {  	_ =	strace $0x8FFFFFFF  }
0x9a: {  	s19 =	sld [smem:$0x3FDB];
	_ =	sdelay $0x1  }
0x9b: {  	s6 =	simm.s32 $_scs_section_size  }
0x9c: {  	s7 =	simm.s32 $_size__tile_overlayer_lowered;
	s8 =	simm.s32 $_tile_overlayer_lowered  }
0x9d: {  	s22 =	simm.s32 $0x1BFF;
	s21 =	sshll.u32 s8, $0x1;
	s5 =	sadd.s32 s6, s19  }
0x9e: {  	s9 =	simm.s32 $0x0;
	s20 =	sshll.u32 s7, $0x1;
	s7 =	sadd.s32 s21, s5  }
0x9f: {  	[timem:s9], [sflag:s22] =	dma.local [hbm:s7], s20  }
0xa0: {  	_ =	swait.ge [sflag:s22], s20  }
0xa1: {  	s6 =	ssub.s32 $0x0, s20;
	[sflag:s22] =	ssyncset.done $0x0  }
0xa2: {  	[sflag:s22] =	ssyncadd.s32 s6;
	_ =	sdelay $0x1  }
0xa3: {  	s23 =	simm.s32 $0x1B8B  }
0xa4: {  	_ =	swait.ge [sflag:s23], $0x1  }
0xa5: {  	[sflag:s23] =	ssyncset.done $0x0  }
0xa6: {  	s25 =	simm.s32 $0x1B8E;
	s24 =	sld [smem:$0x3FFE];
	[sflag:s23] =	ssyncadd.s32 $0xFFFFFFFF  }
0xa7: {  	s26 =	simm.s32 $execute0_lowered;
	[smem:$0x3FD2] =	sst s25  }
0xa8: {  	s7 =	sshll.u32 s26, $0x1;
	_ =	strace $0x80000046;
	[dreg:$0x1] =	wrdreg $0xFFFFFFFF  }
0xa9: {  	s28 =	simm.s32 $_size_execute0_lowered;
	s5 =	sadd.s32 s5, s7;
	[dreg:$0x0] =	wrdreg $0x0  }
0xaa: {  	s7 =	sshll.u32 s28, $0x1;
	[dreg:$0x2] =	wrdreg s5  }
0xab: {  	[dreg:$0x3] =	wrdreg s7  }
0xac: {  	[dreg:$0x4] =	wrdreg $0xC0  }
0xad: {  	_ =	task [dreg:s9], $0x5FFFF  }
0xae: {  	[dreg:$0x1] =	wrdreg $0xFFFFFFFF  }
0xaf: {  	[dreg:$0x0] =	wrdreg $0x60  }
0xb0: {  	[dreg:$0x2] =	wrdreg s2  }
0xb1: {  	[dreg:$0x3] =	wrdreg s18  }
0xb2: {  	[dreg:$0x4] =	wrdreg s24  }
0xb3: {  	[dreg:$0x5] =	wrdreg s4  }
0xb4: {  	[dreg:$0x6] =	wrdreg $0x9  }
0xb5: {  	_ =	task.clear_ibuf [dreg:s9], $0x7FFFF;
	_ =	strace $0x90000046  }
0xb6: {  	s29 =	simm.s32 $0x9;
	_ =	strace $0x80000048  }
0xb7: {  	_ =	swait.ge [sflag:s29], $0x1  }
0xb8: {  	[sflag:s29] =	ssyncadd.s32 $0xFFFFFFFF  }
0xb9: {  	_ =	strace $0x90000048  }
0xba: {  	_ =	sfence  }
0xbb: {  	s30 =	sld [smem:$0x0];
	_ =	sdelay $0x2  }
0xbc: {  	s31 =	sshll.u32 s1, $0xD;
	s1 =	sshrl.u32 s1, $0x2  }
0xbd: {  	s3 =	sand.u32 $0x4000, s31;
	s1 =	sadd.s32 s1, s30  }
0xbe: {  	s0 =	sor.u32 s3, s0;
	s1 =	sshll.u32 s1, $0x11  }
0xbf: {  	s0 =	sor.u32 s1, s0  }
0xc0: {  	s0 =	sadd.s32 $0x8F2B, s0  }
0xc1: {  	[sflag:s0] =	ssyncadd.remote.s32 $0x1  }
0xc2: {  	_ =	sfence.sel $0xFFFF  }
0xc3: {  	[dreg:$0x0] =	wrdreg $0xFFFFFFFF;
	(pc) =	sbr.abs _section_cstart, $3  }
0xc4: {  	[dreg:$0x1] =	wrdreg $0xFFFFFFFF  }
0xc5: {  	_ =	task.clear_ibuf [dreg:s9], $0x2FFFF;
	_ =	strace $0x9FFFFFFF  }
0xc6: {  	(tm) =	ssettm $0x7FFFFFFF  }
0xc7: {  	_ =	shalt  }
tec
execute0_lowered:
.L_overlay_start_1:
0x0: {  	(tag) =	ssettag $0x1  }
0x1: {  	s2 =	srdreg.scid  }
0x2: {  	s7 =	sand.u32 $0x1, s2  }
0x3: {  	s5 =	rddreg [dreg:$0x0];
	s9 =	ssub.s32 $0x2, s7  }
0x4: {  	s4 =	rddreg [dreg:$0x1];
	s10 =	sshrl.u32 s9, $0x1  }
0x5: {  	s6 =	rddreg [dreg:$0x2];
	s9 =	ssub.s32 s9, s10  }
0x6: {  	s3 =	rddreg [dreg:$0x3];
	s1 =	simm.s32 $0x0;
	s9 =	smax.u32 s9, $0x1  }
0x7: {  	[smem:$0x7FF] =	sst s1;
	s1 =	stileid.u32;
	s17 =	sadd.s32 $0xFFFFFFFF, s9  }
0x8: {  	s0 =	rddreg [dreg:$0x4];
	s8 =	sshll.u32 s1, $0x1;
	p3 =	sne.s32 s17, $0x0  }
.Ltmp0:
0x9: {  	p2 =	por $0x0, $0x0;
	s8 =	sor.u32 s7, s8;
	(pc) =	sbr.rel @!p3 .LBB2_1-.Ltmp0, $4  }
0xa: {  	s2 =	sadd.s32 $0xF43600, s6;
	_ =	strace $0x80000047;
	p0 =	sgt.u32 s8, $0x18  }
0xb: {  	s7 =	sadd.s32 $0x187C00, s6;
	s31 =	sshll.u32 s8, $0x6;
	p1 =	sne.s32 @p0 s8, $0x19  }
0xc: {  	s10 =	sadd.s32 s31, s6;
	s6 =	sadd.s32 s4, s8;
	p1 =	por p1, !p0  }
0xd: {  	s4 =	sadd.s32 $0x1200, s10;
	s9 =	simm.s32 @!p1 $0x0;
	s8 =	simm.s32 @!p1 $0x2  }
0xe: {  	s10 =	simm.s32 @!p1 $0x208  }
0xf: {  	[tilespmem:s10], [sflag:$0x2] =	stream.linear.gather @!p1 [hbm4b:s5+s9], $0x8, $0x38;
	[tilespmem:$0x250] =	vst v63  }
0x10: {  	_ =	swait.ge @!p1 [sflag:s8], $0x8  }
0x11: {  	[sflag:s8] =	ssyncset.done @!p1 $0x0  }
0x12: {  	s11 =	simm.s32 @!p1 $0x1;
	s12 =	simm.s32 @!p1 $0x210;
	[sflag:s8] =	ssyncadd.s32 @!p1 $0xFFFFFFF8  }
0x13: {  	[tilespmem:s12], [sflag:$0x1] =	stream.indirect.gather @!p1 [hbm4b:s7+s11], $0x40, s10, s11, $0xb8;
	[tilespmem:$0x250] =	vst v63  }
0x14: {  	_ =	swait.ge @!p1 [sflag:s11], $0x40  }
0x15: {  	[sflag:s11] =	ssyncset.done @!p1 $0x0  }
0x16: {  	[sflag:s11] =	ssyncadd.s32 @!p1 $0xFFFFFFC0  }
0x17: {  	[hbm4b:s3+s9] =	stream.linear.scatter @!p1 [tilespmem:s12], [sflag:$0x2], $0x40, $0x38;
	[tilespmem:$0x250] =	vst v63  }
0x18: {  	_ =	swait.ge @!p1 [sflag:s8], $0x40  }
0x19: {  	[sflag:s8] =	ssyncset.done @!p1 $0x0  }
0x1a: {  	s14 =	simm.s32 @!p0 $0x0;
	s13 =	simm.s32 @!p0 $0x2;
	[sflag:s8] =	ssyncadd.s32 @!p1 $0xFFFFFFC0  }
0x1b: {  	[tilespmem:s14], [sflag:$0x2] =	stream.linear.gather @!p0 [hbm4b:s6+s14], $0x8, $0x38;
	[tilespmem:$0x250] =	vst v63  }
0x1c: {  	_ =	swait.ge @!p0 [sflag:s13], $0x8  }
0x1d: {  	s15 =	simm.s32 @!p0 $0x8;
	[sflag:s13] =	ssyncset.done @!p0 $0x0  }
0x1e: {  	s16 =	simm.s32 @!p0 $0x1;
	s17 =	sadd.s32 $0xFFFFFFFF, s17;
	[sflag:s13] =	ssyncadd.s32 @!p0 $0xFFFFFFF8  }
0x1f: {  	[tilespmem:s15], [sflag:$0x1] =	stream.indirect.gather @!p0 [hbm4b:s2+s15], $0x40, s14, s15, $0xb8;
	[tilespmem:$0x250] =	vst v63  }
0x20: {  	p3 =	sne.s32 s17, $0x0;
	_ =	swait.ge @!p0 [sflag:s16], $0x200  }
.Ltmp1:
0x21: {  	[sflag:s16] =	ssyncset.done @!p0 $0x0;
	(pc) =	sbr.rel @!p3 .LBB2_4-.Ltmp1, $4  }
0x22: {  	[sflag:s16] =	ssyncadd.s32 @!p0 $0xFFFFFE00  }
0x23: {  	[hbm4b:s4+s14] =	stream.linear.scatter @!p0 [tilespmem:s15], [sflag:$0x2], $0x200, $0x38;
	[tilespmem:$0x250] =	vst v63  }
0x24: {  	_ =	swait.ge @!p0 [sflag:s13], $0x200  }
0x25: {  	p2 =	por $0x1, $0x1;
	[sflag:s13] =	ssyncset.done @!p0 $0x0  }
.LBB2_3:
0x26: {  	s18 =	simm.s32 @!p1 $0x0;
	[sflag:s13] =	ssyncadd.s32 @!p0 $0xFFFFFE00  }
0x27: {  	[tilespmem:s10], [sflag:$0x2] =	stream.linear.gather @!p1 [hbm4b:s5+s9], $0x8, $0x38;
	[tilespmem:$0x250] =	vst v63  }
0x28: {  	s17 =	sadd.s32 $0xFFFFFFFF, s17;
	_ =	swait.ge @!p1 [sflag:s8], $0x8  }
0x29: {  	p3 =	sne.s32 s17, $0x0;
	[sflag:s8] =	ssyncset.done @!p1 $0x0  }
0x2a: {  	[sflag:s8] =	ssyncadd.s32 @!p1 $0xFFFFFFF8  }
0x2b: {  	[tilespmem:s12], [sflag:$0x1] =	stream.indirect.gather @!p1 [hbm4b:s7+s11], $0x40, s10, s11, $0xb8;
	[tilespmem:$0x250] =	vst v63  }
0x2c: {  	_ =	swait.ge @!p1 [sflag:s11], $0x40  }
0x2d: {  	[sflag:s11] =	ssyncset.done @!p1 $0x0  }
0x2e: {  	[sflag:s11] =	ssyncadd.s32 @!p1 $0xFFFFFFC0  }
0x2f: {  	[hbm4b:s3+s9] =	stream.linear.scatter @!p1 [tilespmem:s12], [sflag:$0x2], $0x40, $0x38;
	[tilespmem:$0x250] =	vst v63  }
0x30: {  	s9 =	smov.u32 s18;
	_ =	swait.ge @!p1 [sflag:s8], $0x40  }
0x31: {  	[sflag:s8] =	ssyncset.done @!p1 $0x0  }
0x32: {  	[sflag:s8] =	ssyncadd.s32 @!p1 $0xFFFFFFC0  }
0x33: {  	[tilespmem:s14], [sflag:$0x2] =	stream.linear.gather @!p0 [hbm4b:s6+s14], $0x8, $0x38;
	[tilespmem:$0x250] =	vst v63  }
0x34: {  	_ =	swait.ge @!p0 [sflag:s13], $0x8  }
0x35: {  	[sflag:s13] =	ssyncset.done @!p0 $0x0  }
0x36: {  	[sflag:s13] =	ssyncadd.s32 @!p0 $0xFFFFFFF8  }
0x37: {  	[tilespmem:s15], [sflag:$0x1] =	stream.indirect.gather @!p0 [hbm4b:s2+s15], $0x40, s14, s15, $0xb8;
	[tilespmem:$0x250] =	vst v63  }
0x38: {  	_ =	swait.ge @!p0 [sflag:s16], $0x200  }
.Ltmp2:
0x39: {  	[sflag:s16] =	ssyncset.done @!p0 $0x0;
	(pc) =	sbr.rel @p3 .LBB2_3-.Ltmp2, $4  }
0x3a: {  	[sflag:s16] =	ssyncadd.s32 @!p0 $0xFFFFFE00  }
0x3b: {  	[hbm4b:s4+s14] =	stream.linear.scatter @!p0 [tilespmem:s15], [sflag:$0x2], $0x200, $0x38;
	[tilespmem:$0x250] =	vst v63  }
0x3c: {  	_ =	swait.ge @!p0 [sflag:s13], $0x200  }
0x3d: {  	[sflag:s13] =	ssyncset.done @!p0 $0x0  }
.LBB2_4:
0x3e: {  	p2 =	por p0, !p2  }
0x3f: {  	s10 =	simm.s32 @!p1 $0x208;
	[sflag:s13] =	ssyncadd.s32 @!p2 $0xFFFFFE00  }
0x40: {  	[tilespmem:s10], [sflag:$0x2] =	stream.linear.gather @!p1 [hbm4b:s5+s9], $0x8, $0x38;
	[tilespmem:$0x250] =	vst v63  }
0x41: {  	_ =	swait.ge @!p1 [sflag:s8], $0x8  }
0x42: {  	[sflag:s8] =	ssyncset.done @!p1 $0x0  }
0x43: {  	s11 =	simm.s32 @!p1 $0x210;
	s5 =	simm.s32 @!p1 $0x1;
	[sflag:s8] =	ssyncadd.s32 @!p1 $0xFFFFFFF8  }
0x44: {  	[tilespmem:s11], [sflag:$0x1] =	stream.indirect.gather @!p1 [hbm4b:s7+s5], $0x40, s10, s5, $0xb8;
	[tilespmem:$0x250] =	vst v63  }
0x45: {  	_ =	swait.ge @!p1 [sflag:s5], $0x40  }
0x46: {  	[sflag:s5] =	ssyncset.done @!p1 $0x0  }
0x47: {  	[sflag:s5] =	ssyncadd.s32 @!p1 $0xFFFFFFC0  }
0x48: {  	[hbm4b:s3+s9] =	stream.linear.scatter @!p1 [tilespmem:s11], [sflag:$0x2], $0x40, $0x38;
	[tilespmem:$0x250] =	vst v63  }
0x49: {  	_ =	swait.ge @!p1 [sflag:s8], $0x40  }
0x4a: {  	[sflag:s8] =	ssyncset.done @!p1 $0x0  }
0x4b: {  	s5 =	simm.s32 @!p0 $0x2;
	s3 =	simm.s32 @!p0 $0x0;
	[sflag:s8] =	ssyncadd.s32 @!p1 $0xFFFFFFC0  }
0x4c: {  	[tilespmem:s3], [sflag:$0x2] =	stream.linear.gather @!p0 [hbm4b:s6+s3], $0x8, $0x38;
	[tilespmem:$0x250] =	vst v63  }
0x4d: {  	_ =	swait.ge @!p0 [sflag:s5], $0x8  }
0x4e: {  	[sflag:s5] =	ssyncset.done @!p0 $0x0  }
0x4f: {  	s7 =	simm.s32 @!p0 $0x1;
	s6 =	simm.s32 @!p0 $0x8;
	[sflag:s5] =	ssyncadd.s32 @!p0 $0xFFFFFFF8  }
0x50: {  	[tilespmem:s6], [sflag:$0x1] =	stream.indirect.gather @!p0 [hbm4b:s2+s6], $0x40, s3, s6, $0xb8;
	[tilespmem:$0x250] =	vst v63  }
0x51: {  	_ =	swait.ge @!p0 [sflag:s7], $0x200  }
0x52: {  	[sflag:s7] =	ssyncset.done @!p0 $0x0  }
0x53: {  	[sflag:s7] =	ssyncadd.s32 @!p0 $0xFFFFFE00  }
0x54: {  	[hbm4b:s4+s3] =	stream.linear.scatter @!p0 [tilespmem:s6], [sflag:$0x2], $0x200, $0x38;
	[tilespmem:$0x250] =	vst v63  }
0x55: {  	_ =	swait.ge @!p0 [sflag:s5], $0x200  }
0x56: {  	[sflag:s5] =	ssyncset.done @!p0 $0x0  }
0x57: {  	[sflag:s5] =	ssyncadd.s32 @!p0 $0xFFFFFE00  }
0x58: {  	_ =	sfence.sel $0x180000  }
0x59: {  	[bflag:$0x0] =	sbarrier.arrive $0xFFFF  }
0x5a: {  	p0 =	sne.s32 s1, $0x0;
	_ =	strace $0x90000047  }
0x5b: {  	s0 =	sadd.s32 @!p0 $0x100000, s0;
	[bflag:$0x2] =	sbarrier.arrive $0xFFFF  }
0x5c: {  	[sflag:s0] =	ssyncadd.tile.s32 @!p0 $0x1;
	_ =	shalt  }
.LBB2_1:
.Ltmp3:
0x5d: {  	(pc) =	sbr.rel .LBB2_4-.Ltmp3, $2  }
0x5e: {  	_ =	sdelay $0x2  }
0x5f: {  	_ = 	snop  }
.Lfunc_end2:
_tile_overlayer_lowered:
.L_overlay_start_2:
0x60: {  	(tag) =	ssettag $0x2  }
0x61: {  	s0 =	rddreg [dreg:$0x0];
	s2 =	stileid.u32  }
0x62: {  	s1 =	rddreg [dreg:$0x1];
	p0 =	sne.s32 s2, $0x0  }
0x63: {  	s3 =	rddreg [dreg:$0x2];
	[bflag:$0x3] =	sbarrier.arrive $0xFFFF;
	s2 =	simm.s32 @!p0 $0x1C02  }
0x64: {  	[timem:s3], [sflag:s2] =	dma.local @!p0 [hbm:s0], s1  }
0x65: {  	s0 =	simm.s32 @!p0 $0x2  }
0x66: {  	_ =	swait.ge @!p0 [sflag:s0], s1  }
0x67: {  	s1 =	ssub.s32 @!p0 $0x0, s1;
	[sflag:s0] =	ssyncset.done @!p0 $0x0  }
0x68: {  	[sflag:s0] =	ssyncadd.s32 @!p0 s1  }
0x69: {  	[bflag:$0x3] =	sbarrier.arrive $0xFFFF  }
0x6a: {  	_ =	shalt  }

</sc_bundles>
